<compile_context>
chip_gen: v7x
topology: tpu7x:2x2x1
jax: 0.10.2.dev20260603
libtpu: 0.0.44.dev20260713+nightly
codegen_flags: <defaults>
</compile_context>

<pallas_src>
import functools

import jax
import jax.numpy as jnp
import numpy as np
from jax import lax
from jax.experimental import pallas as pl
from jax.experimental.pallas import tpu as pltpu
from jax.experimental.pallas import tpu_sc as plsc

NMEM = 16
CHUNK = 512


def _mm(a, b, dims):
    return lax.dot_general(a, b, (dims, ((), ())),
                           precision=jax.lax.Precision.DEFAULT,
                           preferred_element_type=jnp.float32)


def _mom_body(xe_ref, wq_ref, wk_ref, wv_ref, wr_ref,
              bq_ref, bk_ref, bv_ref, br_ref, rw_ref, wo_ref, bo_ref,
              out_ref, m_ref, wp_s, bp_s):
    i = pl.program_id(0)
    C = xe_ref.shape[0]
    HID = wo_ref.shape[0]
    NM1 = NMEM + 1

    @pl.when(i == 0)
    def _init():
        m_ref[...] = jnp.zeros_like(m_ref)
        wp_s[:, 0:HID] = wq_ref[...]
        wp_s[:, HID:2 * HID] = wk_ref[...]
        wp_s[:, 2 * HID:3 * HID] = wv_ref[...]
        bp_s[:, 0:HID] = bq_ref[...]
        bp_s[:, HID:2 * HID] = bk_ref[...]
        bp_s[:, 2 * HID:3 * HID] = bv_ref[...]

    xe = xe_ref[...]
    qkv = _mm(xe, wp_s[...], ((1,), (0,))) + bp_s[...]
    q = qkv[:, 0:HID]
    k = qkv[:, HID:2 * HID]
    v = qkv[:, 2 * HID:3 * HID]
    lt = _mm(wr_ref[...], xe, ((0,), (1,))) + br_ref[...]

    mx = jnp.max(lt, axis=0, keepdims=True)
    e = jnp.exp(lt - mx)
    p = e / jnp.sum(e, axis=0, keepdims=True)

    j = lax.broadcasted_iota(jnp.int32, (NMEM, C), 0)
    v1 = jnp.max(p, axis=0, keepdims=True)
    i1 = jnp.min(jnp.where(p == v1, j, NMEM), axis=0, keepdims=True)
    m1 = j == i1
    p2 = jnp.where(m1, -1.0, p)
    v2 = jnp.max(p2, axis=0, keepdims=True)
    i2 = jnp.min(jnp.where(p2 == v2, j, NMEM), axis=0, keepdims=True)
    m2 = j == i2
    wt = (jnp.where(m1, v1, 0.0) + jnp.where(m2, v2, 0.0)) / (v1 + v2)

    wt_full = jnp.concatenate([wt, jnp.ones((1, C), jnp.float32)], axis=0)
    w_rep = _mm(wt_full, rw_ref[...], ((0,), (0,)))

    q_tile = pltpu.repeat(q, NM1, axis=1)
    o = _mm(w_rep * q_tile, m_ref[...], ((1,), (0,)))

    A = _mm(q, k, ((1,), (1,)))
    G = _mm(wt, wt, ((0,), (0,))) + 1.0
    ti = lax.broadcasted_iota(jnp.int32, (C, C), 0)
    si = lax.broadcasted_iota(jnp.int32, (C, C), 1)
    P = jnp.where(ti >= si, A * G, 0.0)
    o = o + _mm(P, v, ((1,), (0,)))

    res = _mm(o, wo_ref[...], ((1,), (0,))) + bo_ref[...]
    out_ref[...] = res.reshape(C, 1, res.shape[1])

    k_tile = pltpu.repeat(k, NM1, axis=1)
    m_ref[...] += _mm(w_rep * k_tile, v, ((0,), (0,)))


def _mom_dense(xe, Wq, Wk, Wv, Wr, bq, bk, bv, br, Rw, Wo, bo,
               interpret=False):
    S, EMB = xe.shape
    HID = Wo.shape[0]
    OUT = Wo.shape[1]
    NM1 = NMEM + 1
    C = CHUNK
    full = lambda shape: pl.BlockSpec(shape, lambda i: (0, 0))
    return pl.pallas_call(
        _mom_body,
        grid=(S // C,),
        in_specs=[
            pl.BlockSpec((C, EMB), lambda i: (i, 0)),
            full(Wq.shape), full(Wk.shape), full(Wv.shape), full(Wr.shape),
            full(bq.shape), full(bk.shape), full(bv.shape), full(br.shape),
            full(Rw.shape),
            full((HID, OUT)), full((1, OUT)),
        ],
        out_specs=pl.BlockSpec((C, 1, OUT), lambda i: (i, 0, 0)),
        out_shape=jax.ShapeDtypeStruct((S, 1, OUT), jnp.float32),
        scratch_shapes=[
            pltpu.VMEM((NM1 * HID, HID), jnp.float32),
            pltpu.VMEM((EMB, 3 * HID), jnp.float32),
            pltpu.VMEM((1, 3 * HID), jnp.float32),
        ],
        compiler_params=pltpu.CompilerParams(
            dimension_semantics=("arbitrary",)),
        interpret=interpret,
    )(xe, Wq, Wk, Wv, Wr, bq, bk, bv, br, Rw, Wo, bo)


def _sc_gather(table, idx):
    V, D = table.shape
    (B,) = idx.shape
    info = plsc.get_sparse_core_info()
    NC, NS = info.num_cores, info.num_subcores
    NW = NC * NS
    b_per_w = B // NW
    mesh = plsc.VectorSubcoreMesh(core_axis_name="c", subcore_axis_name="s")

    @functools.partial(
        pl.kernel, mesh=mesh,
        out_type=jax.ShapeDtypeStruct((B, D), jnp.float32),
        scratch_types=[
            pltpu.VMEM((b_per_w,), jnp.int32),
            pltpu.VMEM((b_per_w, D), jnp.float32),
            pltpu.SemaphoreType.DMA,
            pltpu.SemaphoreType.DMA,
            pltpu.SemaphoreType.DMA,
            pltpu.SemaphoreType.DMA,
        ],
    )
    def gather_k(table_hbm, idx_hbm, out_hbm, idx_v, rows_v,
                 sem_g0, sem_g1, sem_w0, sem_w1):
        wid = lax.axis_index("s") * NC + lax.axis_index("c")
        base = wid * b_per_w
        h = b_per_w // 2
        pltpu.sync_copy(idx_hbm.at[pl.ds(base, b_per_w)], idx_v)
        g0 = pltpu.async_copy(table_hbm.at[idx_v.at[pl.ds(0, h)]],
                              rows_v.at[pl.ds(0, h)], sem_g0)
        g1 = pltpu.async_copy(table_hbm.at[idx_v.at[pl.ds(h, h)]],
                              rows_v.at[pl.ds(h, h)], sem_g1)
        g0.wait()
        w0 = pltpu.async_copy(rows_v.at[pl.ds(0, h)],
                              out_hbm.at[pl.ds(base, h)], sem_w0)
        g1.wait()
        w1 = pltpu.async_copy(rows_v.at[pl.ds(h, h)],
                              out_hbm.at[pl.ds(base + h, h)], sem_w1)
        w0.wait()
        w1.wait()

    return gather_k(table, idx)


def kernel(x, emb, Wq, bq, Wk, bk, Wv, bv, Wr, br, Wo, bo):
    S, B = x.shape
    HID = Wq.shape[1]
    OUT = Wo.shape[1]
    NM1 = NMEM + 1
    idx = x.reshape(-1).astype(jnp.int32)
    xe = _sc_gather(emb, idx)
    Rw = jnp.asarray(np.kron(np.eye(NM1, dtype=np.float32),
                             np.ones((1, HID), np.float32)))
    return _mom_dense(xe, Wq, Wk, Wv, Wr,
                      bq.reshape(1, HID), bk.reshape(1, HID),
                      bv.reshape(1, HID), br.reshape(NMEM, 1),
                      Rw, Wo, bo.reshape(1, OUT))

# --- scband reference (transcript-rebuilt; emitter-appended) ---
"""Pipeline reference for scband-mo-mpipeline-87574383166012 (READ-ONLY COPY).

The authoritative reference and input builder live on the scoring server;
editing this copy changes nothing except your own understanding.
"""

import jax, jax.numpy as jnp
import numpy as np

VOCAB = 100000
EMB = 128
HID = 64
OUT = 1024
NMEM = 16
TOPK = 2
S = 2048
B = 1


def setup_inputs(seed: int = 0) -> dict:
    key = jax.random.key(seed)
    ks = jax.random.split(key, 12)
    x = jax.random.randint(ks[0], (S, B), 0, VOCAB, dtype=jnp.int64 if jax.config.read('jax_enable_x64') else jnp.int32)
    emb = jax.random.normal(ks[1], (VOCAB, EMB), jnp.float32) * 0.02
    Wq = jax.random.normal(ks[2], (EMB, HID), jnp.float32) * (1.0 / np.sqrt(EMB))
    bq = jnp.zeros((HID,), jnp.float32)
    Wk = jax.random.normal(ks[3], (EMB, HID), jnp.float32) * (1.0 / np.sqrt(EMB))
    bk = jnp.zeros((HID,), jnp.float32)
    Wv = jax.random.normal(ks[4], (EMB, HID), jnp.float32) * (1.0 / np.sqrt(EMB))
    bv = jnp.zeros((HID,), jnp.float32)
    Wr = jax.random.normal(ks[5], (EMB, NMEM), jnp.float32) * (1.0 / np.sqrt(EMB))
    br = jnp.zeros((NMEM,), jnp.float32)
    Wo = jax.random.normal(ks[6], (HID, OUT), jnp.float32) * (1.0 / np.sqrt(HID))
    bo = jnp.zeros((OUT,), jnp.float32)
    return {'x': x, 'emb': emb, 'Wq': Wq, 'bq': bq, 'Wk': Wk, 'bk': bk, 'Wv': Wv, 'bv': bv, 'Wr': Wr, 'br': br, 'Wo': Wo, 'bo': bo}


def _mom_forward(x, emb, Wq, bq, Wk, bk, Wv, bv, Wr, br, Wo, bo):
    S_, B_ = x.shape
    # Embedding lookup (SparseCore gather)
    xe = jnp.take(emb, x, axis=0)  # [S, B, EMB]
    q = xe @ Wq + bq               # [S, B, HID]
    k = xe @ Wk + bk
    v = xe @ Wv + bv
    # Router: softmax over memories, top-k gating, renormalized
    logits = xe @ Wr + br          # [S, B, NMEM]
    probs = jax.nn.softmax(logits, axis=-1)
    topv, topi = jax.lax.top_k(probs, TOPK)
    topv = topv / jnp.sum(topv, axis=-1, keepdims=True)
    # Scatter gate weights into dense per-memory weight vector
    w = jnp.sum(jax.nn.one_hot(topi, NMEM, dtype=xe.dtype) * topv[..., None], axis=-2)  # [S, B, NMEM]
    # Shared memory (index NMEM) always receives weight 1
    w_full = jnp.concatenate([w, jnp.ones((S_, B_, 1), xe.dtype)], axis=-1)  # [S, B, NMEM+1]
    # M_0 = zeros(B, NMEM+1, HID, HID) as in the torch pipeline
    M0 = jnp.zeros((B_, NMEM + 1, HID, HID), xe.dtype)

    def step(Mst, inp):
        qt, kt, vt, wt = inp
        kv = jnp.einsum('bh,bd->bhd', kt, vt)                       # outer-product write
        Mn = Mst + wt[:, :, None, None] * kv[:, None, :, :]         # routed memory update
        o = jnp.einsum('bm,bh,bmhd->bd', wt, qt, Mn)                # gated memory read
        return Mn, o

    M_fin, o = jax.lax.scan(step, M0, (q, k, v, w_full))            # o: [S, B, HID]
    out = o @ Wo + bo                                               # output layer
    # output_activation = Identity
    return out


def reference(x, emb, Wq, bq, Wk, bk, Wv, bv, Wr, br, Wo, bo):
    return _mom_forward(x, emb, Wq, bq, Wk, bk, Wv, bv, Wr, br, Wo, bo)

if __name__ == "__main__":
    import jax
    _d = setup_inputs()
    print(jax.jit(kernel)(*tuple(_d.values())))

</pallas_src>

<mosaic_0001>
#map = affine_map<(d0, d1) -> (0, 0)>
#map1 = affine_map<(d0, d1) -> (0)>
module attributes {stable_mosaic.version = 14 : i64} {
  func.func @gather_k(%arg0: i32, %arg1: i32, %arg2: memref<100000x128xf32, #tpu.memory_space<hbm>>, %arg3: memref<2048xi32, #tpu.memory_space<hbm>>, %arg4: memref<2048x128xf32, #tpu.memory_space<hbm>>, %arg5: memref<64xi32, #tpu.memory_space<vmem>>, %arg6: memref<64x128xf32, #tpu.memory_space<vmem>>, %arg7: memref<!tpu.dma_semaphore, #tpu.memory_space<semaphore_mem>>, %arg8: memref<!tpu.dma_semaphore, #tpu.memory_space<semaphore_mem>>, %arg9: memref<!tpu.dma_semaphore, #tpu.memory_space<semaphore_mem>>, %arg10: memref<!tpu.dma_semaphore, #tpu.memory_space<semaphore_mem>>) attributes {dimension_semantics = [#tpu.dimension_semantics<core_parallel>, #tpu.dimension_semantics<subcore_parallel>], iteration_bounds = array<i64: 2, 16>, scalar_prefetch = 0 : i64, scratch_operands = 6 : i64, tpu.core_type = #tpu.core_type<sc_vector_subcore>, window_params = [{transform_indices = #map}, {transform_indices = #map1}, {transform_indices = #map}]} {
    %mul3A = arith.constant 2 : i32
    %mul3A_0 = arith.muli %arg1, %mul3A : i32
    %add3A = arith.addi %mul3A_0, %arg0 : i32
    %mul3A_1 = arith.constant 64 : i32
    %mul3A_2 = arith.muli %add3A, %mul3A_1 : i32
    "tpu.region"() ({
      %run_scoped3A = tpu.sem_alloc : memref<!tpu.dma_semaphore, #tpu.memory_space<semaphore_mem>>
      %dma_start3A_75 = tpu.memref_slice %arg3[%mul3A_2] : memref<2048xi32, #tpu.memory_space<hbm>> -> memref<64xi32, #tpu.memory_space<hbm>>
      %dma_start3A_76 = tpu.memref_slice %arg3[%mul3A_2] : memref<2048xi32, #tpu.memory_space<hbm>> -> memref<64xi32, #tpu.memory_space<hbm>>
      tpu.enqueue_dma source(%dma_start3A_76 : memref<64xi32, #tpu.memory_space<hbm>>) target(%arg5 : memref<64xi32, #tpu.memory_space<vmem>>) target_semaphore(%run_scoped3A : memref<!tpu.dma_semaphore, #tpu.memory_space<semaphore_mem>>)
      %dma_wait3A_77 = tpu.memref_slice %arg3[%mul3A_2] : memref<2048xi32, #tpu.memory_space<hbm>> -> memref<64xi32, #tpu.memory_space<hbm>>
      %dma_wait3A_78 = tpu.memref_slice %arg3[%mul3A_2] : memref<2048xi32, #tpu.memory_space<hbm>> -> memref<64xi32, #tpu.memory_space<hbm>>
      tpu.wait_dma2 semaphore(%run_scoped3A : memref<!tpu.dma_semaphore, #tpu.memory_space<semaphore_mem>>) src(%dma_wait3A_78 : memref<64xi32, #tpu.memory_space<hbm>>) dst(%arg5 : memref<64xi32, #tpu.memory_space<vmem>>)
      tpu.yield
    }) : () -> ()
    %dma_start3A = arith.constant 0 : i32
    %dma_start3A_3 = arith.constant 0 : i32
    %dma_start3A_4 = tpu.memref_slice %arg6[%dma_start3A, %dma_start3A_3] : memref<64x128xf32, #tpu.memory_space<vmem>> -> memref<32x128xf32, #tpu.memory_space<vmem>>
    %dma_start3A_5 = arith.constant 0 : i32
    %dma_start3A_6 = tpu.memref_slice %arg5[%dma_start3A_5] : memref<64xi32, #tpu.memory_space<vmem>> -> memref<32xi32, #tpu.memory_space<vmem>>
    %dma_start3A_7 = arith.constant 0 : i32
    %dma_start3A_8 = arith.constant 0 : i32
    %dma_start3A_9 = tpu.memref_slice %arg2[%dma_start3A_7, %dma_start3A_8] : memref<100000x128xf32, #tpu.memory_space<hbm>> -> memref<100000x128xf32, #tpu.memory_space<hbm>>
    tpu.enqueue_indirect_dma source(%dma_start3A_9 : memref<100000x128xf32, #tpu.memory_space<hbm>>) target(%dma_start3A_4 : memref<32x128xf32, #tpu.memory_space<vmem>>) offsets(%dma_start3A_6 : memref<32xi32, #tpu.memory_space<vmem>>) semaphore(%arg7 : memref<!tpu.dma_semaphore, #tpu.memory_space<semaphore_mem>>)
    %dma_start3A_10 = arith.constant 32 : i32
    %dma_start3A_11 = arith.constant 0 : i32
    %dma_start3A_12 = tpu.memref_slice %arg6[%dma_start3A_10, %dma_start3A_11] : memref<64x128xf32, #tpu.memory_space<vmem>> -> memref<32x128xf32, #tpu.memory_space<vmem>>
    %dma_start3A_13 = arith.constant 32 : i32
    %dma_start3A_14 = tpu.memref_slice %arg5[%dma_start3A_13] : memref<64xi32, #tpu.memory_space<vmem>> -> memref<32xi32, #tpu.memory_space<vmem>>
    %dma_start3A_15 = arith.constant 0 : i32
    %dma_start3A_16 = arith.constant 0 : i32
    %dma_start3A_17 = tpu.memref_slice %arg2[%dma_start3A_15, %dma_start3A_16] : memref<100000x128xf32, #tpu.memory_space<hbm>> -> memref<100000x128xf32, #tpu.memory_space<hbm>>
    tpu.enqueue_indirect_dma source(%dma_start3A_17 : memref<100000x128xf32, #tpu.memory_space<hbm>>) target(%dma_start3A_12 : memref<32x128xf32, #tpu.memory_space<vmem>>) offsets(%dma_start3A_14 : memref<32xi32, #tpu.memory_space<vmem>>) semaphore(%arg8 : memref<!tpu.dma_semaphore, #tpu.memory_space<semaphore_mem>>)
    %dma_wait3A = arith.constant 0 : i32
    %dma_wait3A_18 = arith.constant 0 : i32
    %dma_wait3A_19 = tpu.memref_slice %arg6[%dma_wait3A, %dma_wait3A_18] : memref<64x128xf32, #tpu.memory_space<vmem>> -> memref<32x128xf32, #tpu.memory_space<vmem>>
    %dma_wait3A_20 = arith.constant 0 : i32
    %dma_wait3A_21 = tpu.memref_slice %arg5[%dma_wait3A_20] : memref<64xi32, #tpu.memory_space<vmem>> -> memref<32xi32, #tpu.memory_space<vmem>>
    %dma_wait3A_22 = arith.constant 0 : i32
    %dma_wait3A_23 = arith.constant 0 : i32
    %dma_wait3A_24 = tpu.memref_slice %arg2[%dma_wait3A_22, %dma_wait3A_23] : memref<100000x128xf32, #tpu.memory_space<hbm>> -> memref<100000x128xf32, #tpu.memory_space<hbm>>
    tpu.wait_indirect_dma semaphore(%arg7 : memref<!tpu.dma_semaphore, #tpu.memory_space<semaphore_mem>>) src(%dma_wait3A_24 : memref<100000x128xf32, #tpu.memory_space<hbm>>) dst(%dma_wait3A_19 : memref<32x128xf32, #tpu.memory_space<vmem>>)
    %dma_start3A_25 = arith.constant 0 : i32
    %dma_start3A_26 = arith.constant 0 : i32
    %dma_start3A_27 = tpu.memref_slice %arg6[%dma_start3A_25, %dma_start3A_26] : memref<64x128xf32, #tpu.memory_space<vmem>> -> memref<32x128xf32, #tpu.memory_space<vmem>>
    %dma_start3A_28 = arith.constant 0 : i32
    %dma_start3A_29 = tpu.memref_slice %arg4[%mul3A_2, %dma_start3A_28] : memref<2048x128xf32, #tpu.memory_space<hbm>> -> memref<32x128xf32, #tpu.memory_space<hbm>>
    %dma_start3A_30 = arith.constant 0 : i32
    %dma_start3A_31 = tpu.memref_slice %arg4[%mul3A_2, %dma_start3A_30] : memref<2048x128xf32, #tpu.memory_space<hbm>> -> memref<32x128xf32, #tpu.memory_space<hbm>>
    %dma_start3A_32 = arith.constant 0 : i32
    %dma_start3A_33 = arith.constant 0 : i32
    %dma_start3A_34 = tpu.memref_slice %arg6[%dma_start3A_32, %dma_start3A_33] : memref<64x128xf32, #tpu.memory_space<vmem>> -> memref<32x128xf32, #tpu.memory_space<vmem>>
    tpu.enqueue_dma source(%dma_start3A_34 : memref<32x128xf32, #tpu.memory_space<vmem>>) target(%dma_start3A_31 : memref<32x128xf32, #tpu.memory_space<hbm>>) target_semaphore(%arg9 : memref<!tpu.dma_semaphore, #tpu.memory_space<semaphore_mem>>)
    %dma_wait3A_35 = arith.constant 32 : i32
    %dma_wait3A_36 = arith.constant 0 : i32
    %dma_wait3A_37 = tpu.memref_slice %arg6[%dma_wait3A_35, %dma_wait3A_36] : memref<64x128xf32, #tpu.memory_space<vmem>> -> memref<32x128xf32, #tpu.memory_space<vmem>>
    %dma_wait3A_38 = arith.constant 32 : i32
    %dma_wait3A_39 = tpu.memref_slice %arg5[%dma_wait3A_38] : memref<64xi32, #tpu.memory_space<vmem>> -> memref<32xi32, #tpu.memory_space<vmem>>
    %dma_wait3A_40 = arith.constant 0 : i32
    %dma_wait3A_41 = arith.constant 0 : i32
    %dma_wait3A_42 = tpu.memref_slice %arg2[%dma_wait3A_40, %dma_wait3A_41] : memref<100000x128xf32, #tpu.memory_space<hbm>> -> memref<100000x128xf32, #tpu.memory_space<hbm>>
    tpu.wait_indirect_dma semaphore(%arg8 : memref<!tpu.dma_semaphore, #tpu.memory_space<semaphore_mem>>) src(%dma_wait3A_42 : memref<100000x128xf32, #tpu.memory_space<hbm>>) dst(%dma_wait3A_37 : memref<32x128xf32, #tpu.memory_space<vmem>>)
    %add3A_43 = arith.constant 32 : i32
    %add3A_44 = arith.addi %mul3A_2, %add3A_43 : i32
    %dma_start3A_45 = arith.constant 32 : i32
    %dma_start3A_46 = arith.constant 0 : i32
    %dma_start3A_47 = tpu.memref_slice %arg6[%dma_start3A_45, %dma_start3A_46] : memref<64x128xf32, #tpu.memory_space<vmem>> -> memref<32x128xf32, #tpu.memory_space<vmem>>
    %dma_start3A_48 = arith.constant 0 : i32
    %dma_start3A_49 = tpu.memref_slice %arg4[%add3A_44, %dma_start3A_48] : memref<2048x128xf32, #tpu.memory_space<hbm>> -> memref<32x128xf32, #tpu.memory_space<hbm>>
    %dma_start3A_50 = arith.constant 0 : i32
    %dma_start3A_51 = tpu.memref_slice %arg4[%add3A_44, %dma_start3A_50] : memref<2048x128xf32, #tpu.memory_space<hbm>> -> memref<32x128xf32, #tpu.memory_space<hbm>>
    %dma_start3A_52 = arith.constant 32 : i32
    %dma_start3A_53 = arith.constant 0 : i32
    %dma_start3A_54 = tpu.memref_slice %arg6[%dma_start3A_52, %dma_start3A_53] : memref<64x128xf32, #tpu.memory_space<vmem>> -> memref<32x128xf32, #tpu.memory_space<vmem>>
    tpu.enqueue_dma source(%dma_start3A_54 : memref<32x128xf32, #tpu.memory_space<vmem>>) target(%dma_start3A_51 : memref<32x128xf32, #tpu.memory_space<hbm>>) target_semaphore(%arg10 : memref<!tpu.dma_semaphore, #tpu.memory_space<semaphore_mem>>)
    %dma_wait3A_55 = arith.constant 0 : i32
    %dma_wait3A_56 = arith.constant 0 : i32
    %dma_wait3A_57 = tpu.memref_slice %arg6[%dma_wait3A_55, %dma_wait3A_56] : memref<64x128xf32, #tpu.memory_space<vmem>> -> memref<32x128xf32, #tpu.memory_space<vmem>>
    %dma_wait3A_58 = arith.constant 0 : i32
    %dma_wait3A_59 = tpu.memref_slice %arg4[%mul3A_2, %dma_wait3A_58] : memref<2048x128xf32, #tpu.memory_space<hbm>> -> memref<32x128xf32, #tpu.memory_space<hbm>>
    %dma_wait3A_60 = arith.constant 0 : i32
    %dma_wait3A_61 = tpu.memref_slice %arg4[%mul3A_2, %dma_wait3A_60] : memref<2048x128xf32, #tpu.memory_space<hbm>> -> memref<32x128xf32, #tpu.memory_space<hbm>>
    %dma_wait3A_62 = arith.constant 0 : i32
    %dma_wait3A_63 = arith.constant 0 : i32
    %dma_wait3A_64 = tpu.memref_slice %arg6[%dma_wait3A_62, %dma_wait3A_63] : memref<64x128xf32, #tpu.memory_space<vmem>> -> memref<32x128xf32, #tpu.memory_space<vmem>>
    tpu.wait_dma2 semaphore(%arg9 : memref<!tpu.dma_semaphore, #tpu.memory_space<semaphore_mem>>) src(%dma_wait3A_64 : memref<32x128xf32, #tpu.memory_space<vmem>>) dst(%dma_wait3A_61 : memref<32x128xf32, #tpu.memory_space<hbm>>)
    %dma_wait3A_65 = arith.constant 32 : i32
    %dma_wait3A_66 = arith.constant 0 : i32
    %dma_wait3A_67 = tpu.memref_slice %arg6[%dma_wait3A_65, %dma_wait3A_66] : memref<64x128xf32, #tpu.memory_space<vmem>> -> memref<32x128xf32, #tpu.memory_space<vmem>>
    %dma_wait3A_68 = arith.constant 0 : i32
    %dma_wait3A_69 = tpu.memref_slice %arg4[%add3A_44, %dma_wait3A_68] : memref<2048x128xf32, #tpu.memory_space<hbm>> -> memref<32x128xf32, #tpu.memory_space<hbm>>
    %dma_wait3A_70 = arith.constant 0 : i32
    %dma_wait3A_71 = tpu.memref_slice %arg4[%add3A_44, %dma_wait3A_70] : memref<2048x128xf32, #tpu.memory_space<hbm>> -> memref<32x128xf32, #tpu.memory_space<hbm>>
    %dma_wait3A_72 = arith.constant 32 : i32
    %dma_wait3A_73 = arith.constant 0 : i32
    %dma_wait3A_74 = tpu.memref_slice %arg6[%dma_wait3A_72, %dma_wait3A_73] : memref<64x128xf32, #tpu.memory_space<vmem>> -> memref<32x128xf32, #tpu.memory_space<vmem>>
    tpu.wait_dma2 semaphore(%arg10 : memref<!tpu.dma_semaphore, #tpu.memory_space<semaphore_mem>>) src(%dma_wait3A_74 : memref<32x128xf32, #tpu.memory_space<vmem>>) dst(%dma_wait3A_71 : memref<32x128xf32, #tpu.memory_space<hbm>>)
    return
  }
}

module attributes {stable_mosaic.version = 14 : i64} {
  func.func @_mom_body(%arg0: i32, %arg1: memref<512x128xf32, #tpu.memory_space<vmem>>, %arg2: memref<128x64xf32, #tpu.memory_space<vmem>>, %arg3: memref<128x64xf32, #tpu.memory_space<vmem>>, %arg4: memref<128x64xf32, #tpu.memory_space<vmem>>, %arg5: memref<128x16xf32, #tpu.memory_space<vmem>>, %arg6: memref<1x64xf32, #tpu.memory_space<vmem>>, %arg7: memref<1x64xf32, #tpu.memory_space<vmem>>, %arg8: memref<1x64xf32, #tpu.memory_space<vmem>>, %arg9: memref<16x1xf32, #tpu.memory_space<vmem>>, %arg10: memref<17x1088xf32, #tpu.memory_space<vmem>>, %arg11: memref<64x1024xf32, #tpu.memory_space<vmem>>, %arg12: memref<1x1024xf32, #tpu.memory_space<vmem>>, %arg13: memref<512x1x1024xf32, #tpu.memory_space<vmem>>, %arg14: memref<1088x64xf32, #tpu.memory_space<vmem>>, %arg15: memref<128x192xf32, #tpu.memory_space<vmem>>, %arg16: memref<1x192xf32, #tpu.memory_space<vmem>>) attributes {dimension_semantics = [#tpu.dimension_semantics<arbitrary>], iteration_bounds = array<i64: 4>, scalar_prefetch = 0 : i64, scratch_operands = 3 : i64, tpu.core_type = #tpu.core_type<tc>, window_params = [{transform_indices = @transform_0, window_bounds = array<i64: 512, 128>}, {pipeline_mode = #tpu.pipeline_mode<synchronous>, transform_indices = @transform_1, window_bounds = array<i64: 128, 64>}, {pipeline_mode = #tpu.pipeline_mode<synchronous>, transform_indices = @transform_2, window_bounds = array<i64: 128, 64>}, {pipeline_mode = #tpu.pipeline_mode<synchronous>, transform_indices = @transform_3, window_bounds = array<i64: 128, 64>}, {pipeline_mode = #tpu.pipeline_mode<synchronous>, transform_indices = @transform_4, window_bounds = array<i64: 128, 16>}, {pipeline_mode = #tpu.pipeline_mode<synchronous>, transform_indices = @transform_5, window_bounds = array<i64: 1, 64>}, {pipeline_mode = #tpu.pipeline_mode<synchronous>, transform_indices = @transform_6, window_bounds = array<i64: 1, 64>}, {pipeline_mode = #tpu.pipeline_mode<synchronous>, transform_indices = @transform_7, window_bounds = array<i64: 1, 64>}, {pipeline_mode = #tpu.pipeline_mode<synchronous>, transform_indices = @transform_8, window_bounds = array<i64: 16, 1>}, {pipeline_mode = #tpu.pipeline_mode<synchronous>, transform_indices = @transform_9, window_bounds = array<i64: 17, 1088>}, {pipeline_mode = #tpu.pipeline_mode<synchronous>, transform_indices = @transform_10, window_bounds = array<i64: 64, 1024>}, {pipeline_mode = #tpu.pipeline_mode<synchronous>, transform_indices = @transform_11, window_bounds = array<i64: 1, 1024>}, {transform_indices = @transform_12, window_bounds = array<i64: 512, 1, 1024>}]} {
    %eq3A = arith.constant 0 : i32
    %eq3A_0 = arith.cmpi eq, %arg0, %eq3A : i32
    %convert_element_type3A = arith.extui %eq3A_0 : i1 to i32
    %cond3A = arith.constant 0 : i32
    %cond3A_1 = arith.cmpi ne, %convert_element_type3A, %cond3A : i32
    scf.if %cond3A_1 {
      %broadcast_in_dim3A_121 = arith.constant 0.000000e+00 : f32
      %broadcast_in_dim3A_122 = vector.broadcast %broadcast_in_dim3A_121 : f32 to vector<1088x64xf32>
      %swap3A_123 = arith.constant 0 : index
      %swap3A_124 = arith.constant 0 : index
      %swap3A_125 = vector.load %arg14[%swap3A_123, %swap3A_124] : memref<1088x64xf32, #tpu.memory_space<vmem>>, vector<1088x64xf32>
      tpu.vector_store %arg14[%swap3A_123, %swap3A_124], %broadcast_in_dim3A_122 {strides = array<i32>} : memref<1088x64xf32, #tpu.memory_space<vmem>>, vector<1088x64xf32>,
      %get3A_126 = arith.constant 0 : index
      %get3A_127 = arith.constant 0 : index
      %get3A_128 = vector.load %arg2[%get3A_126, %get3A_127] : memref<128x64xf32, #tpu.memory_space<vmem>>, vector<128x64xf32>
      %swap3A_129 = arith.constant 0 : index
      %swap3A_130 = arith.constant 0 : index
      %swap3A_131 = vector.load %arg15[%swap3A_129, %swap3A_130] : memref<128x192xf32, #tpu.memory_space<vmem>>, vector<128x64xf32>
      tpu.vector_store %arg15[%swap3A_129, %swap3A_130], %get3A_128 {strides = array<i32>} : memref<128x192xf32, #tpu.memory_space<vmem>>, vector<128x64xf32>,
      %get3A_132 = arith.constant 0 : index
      %get3A_133 = arith.constant 0 : index
      %get3A_134 = vector.load %arg3[%get3A_132, %get3A_133] : memref<128x64xf32, #tpu.memory_space<vmem>>, vector<128x64xf32>
      %swap3A_135 = arith.constant 0 : index
      %swap3A_136 = arith.constant 64 : index
      %swap3A_137 = vector.load %arg15[%swap3A_135, %swap3A_136] : memref<128x192xf32, #tpu.memory_space<vmem>>, vector<128x64xf32>
      tpu.vector_store %arg15[%swap3A_135, %swap3A_136], %get3A_134 {strides = array<i32>} : memref<128x192xf32, #tpu.memory_space<vmem>>, vector<128x64xf32>,
      %get3A_138 = arith.constant 0 : index
      %get3A_139 = arith.constant 0 : index
      %get3A_140 = vector.load %arg4[%get3A_138, %get3A_139] : memref<128x64xf32, #tpu.memory_space<vmem>>, vector<128x64xf32>
      %swap3A_141 = arith.constant 0 : index
      %swap3A_142 = arith.constant 128 : index
      %swap3A_143 = vector.load %arg15[%swap3A_141, %swap3A_142] : memref<128x192xf32, #tpu.memory_space<vmem>>, vector<128x64xf32>
      tpu.vector_store %arg15[%swap3A_141, %swap3A_142], %get3A_140 {strides = array<i32>} : memref<128x192xf32, #tpu.memory_space<vmem>>, vector<128x64xf32>,
      %get3A_144 = arith.constant 0 : index
      %get3A_145 = arith.constant 0 : index
      %get3A_146 = vector.load %arg6[%get3A_144, %get3A_145] : memref<1x64xf32, #tpu.memory_space<vmem>>, vector<1x64xf32>
      %swap3A_147 = arith.constant 0 : index
      %swap3A_148 = arith.constant 0 : index
      %swap3A_149 = vector.load %arg16[%swap3A_147, %swap3A_148] : memref<1x192xf32, #tpu.memory_space<vmem>>, vector<1x64xf32>
      tpu.vector_store %arg16[%swap3A_147, %swap3A_148], %get3A_146 {strides = array<i32>} : memref<1x192xf32, #tpu.memory_space<vmem>>, vector<1x64xf32>,
      %get3A_150 = arith.constant 0 : index
      %get3A_151 = arith.constant 0 : index
      %get3A_152 = vector.load %arg7[%get3A_150, %get3A_151] : memref<1x64xf32, #tpu.memory_space<vmem>>, vector<1x64xf32>
      %swap3A_153 = arith.constant 0 : index
      %swap3A_154 = arith.constant 64 : index
      %swap3A_155 = vector.load %arg16[%swap3A_153, %swap3A_154] : memref<1x192xf32, #tpu.memory_space<vmem>>, vector<1x64xf32>
      tpu.vector_store %arg16[%swap3A_153, %swap3A_154], %get3A_152 {strides = array<i32>} : memref<1x192xf32, #tpu.memory_space<vmem>>, vector<1x64xf32>,
      %get3A_156 = arith.constant 0 : index
      %get3A_157 = arith.constant 0 : index
      %get3A_158 = vector.load %arg8[%get3A_156, %get3A_157] : memref<1x64xf32, #tpu.memory_space<vmem>>, vector<1x64xf32>
      %swap3A_159 = arith.constant 0 : index
      %swap3A_160 = arith.constant 128 : index
      %swap3A_161 = vector.load %arg16[%swap3A_159, %swap3A_160] : memref<1x192xf32, #tpu.memory_space<vmem>>, vector<1x64xf32>
      tpu.vector_store %arg16[%swap3A_159, %swap3A_160], %get3A_158 {strides = array<i32>} : memref<1x192xf32, #tpu.memory_space<vmem>>, vector<1x64xf32>,
    } else {
    }
    %get3A = arith.constant 0 : index
    %get3A_2 = arith.constant 0 : index
    %get3A_3 = vector.load %arg1[%get3A, %get3A_2] : memref<512x128xf32, #tpu.memory_space<vmem>>, vector<512x128xf32>
    %get3A_4 = arith.constant 0 : index
    %get3A_5 = arith.constant 0 : index
    %get3A_6 = vector.load %arg15[%get3A_4, %get3A_5] : memref<128x192xf32, #tpu.memory_space<vmem>>, vector<128x192xf32>
    %dot_general3A = arith.constant dense<0.000000e+00> : vector<512x192xf32>
    %dot_general3A_7 = tpu.matmul %get3A_3, %get3A_6, %dot_general3A {dimension_numbers = #tpu.dot_dimension_numbers<[1], [0], [0], [1], [0, 0, 1, 1], [], []>, transpose_lhs_hint = false} : vector<512x128xf32>, vector<128x192xf32>, vector<512x192xf32> -> vector<512x192xf32>
    %get3A_8 = arith.constant 0 : index
    %get3A_9 = arith.constant 0 : index
    %get3A_10 = vector.load %arg16[%get3A_8, %get3A_9] : memref<1x192xf32, #tpu.memory_space<vmem>>, vector<1x192xf32>
    %add3A = vector.broadcast %get3A_10 : vector<1x192xf32> to vector<512x192xf32>
    %add3A_11 = arith.addf %dot_general3A_7, %add3A : vector<512x192xf32>
    %slice3A = vector.extract_strided_slice %add3A_11 {offsets = [0, 0], sizes = [512, 64], strides = [1, 1]} : vector<512x192xf32> to vector<512x64xf32>
    %slice3A_12 = vector.extract_strided_slice %add3A_11 {offsets = [0, 64], sizes = [512, 64], strides = [1, 1]} : vector<512x192xf32> to vector<512x64xf32>
    %slice3A_13 = vector.extract_strided_slice %add3A_11 {offsets = [0, 128], sizes = [512, 64], strides = [1, 1]} : vector<512x192xf32> to vector<512x64xf32>
    %get3A_14 = arith.constant 0 : index
    %get3A_15 = arith.constant 0 : index
    %get3A_16 = vector.load %arg5[%get3A_14, %get3A_15] : memref<128x16xf32, #tpu.memory_space<vmem>>, vector<128x16xf32>
    %dot_general3A_17 = arith.constant dense<0.000000e+00> : vector<16x512xf32>
    %dot_general3A_18 = tpu.matmul %get3A_16, %get3A_3, %dot_general3A_17 {dimension_numbers = #tpu.dot_dimension_numbers<[0], [1], [1], [0], [0, 1, 1, 0], [], []>, transpose_lhs_hint = false} : vector<128x16xf32>, vector<512x128xf32>, vector<16x512xf32> -> vector<16x512xf32>
    %get3A_19 = arith.constant 0 : index
    %get3A_20 = arith.constant 0 : index
    %get3A_21 = vector.load %arg9[%get3A_19, %get3A_20] : memref<16x1xf32, #tpu.memory_space<vmem>>, vector<16x1xf32>
    %add3A_22 = vector.broadcast %get3A_21 : vector<16x1xf32> to vector<16x512xf32>
    %add3A_23 = arith.addf %dot_general3A_18, %add3A_22 : vector<16x512xf32>
    %reduce_max3A = arith.constant dense<0xFF800000> : vector<512xf32>
    %reduce_max3A_24 = vector.multi_reduction <maximumf>, %add3A_23, %reduce_max3A [0] : vector<16x512xf32> to vector<512xf32>
    %broadcast_in_dim3A = vector.shape_cast %reduce_max3A_24 : vector<512xf32> to vector<1x512xf32>
    %sub3A = vector.broadcast %broadcast_in_dim3A : vector<1x512xf32> to vector<16x512xf32>
    %sub3A_25 = arith.subf %add3A_23, %sub3A : vector<16x512xf32>
    %exp3A = math.exp %sub3A_25 : vector<16x512xf32>
    %reduce_sum3A = arith.constant dense<0.000000e+00> : vector<512xf32>
    %reduce_sum3A_26 = vector.multi_reduction <add>, %exp3A, %reduce_sum3A [0] : vector<16x512xf32> to vector<512xf32>
    %broadcast_in_dim3A_27 = vector.shape_cast %reduce_sum3A_26 : vector<512xf32> to vector<1x512xf32>
    %div3A = vector.broadcast %broadcast_in_dim3A_27 : vector<1x512xf32> to vector<16x512xf32>
    %div3A_28 = arith.divf %exp3A, %div3A : vector<16x512xf32>
    %iota3A = tpu.iota {dimensions = array<i32: 0>} : vector<16x512xi32>
    %reduce_max3A_29 = arith.constant dense<0xFF800000> : vector<512xf32>
    %reduce_max3A_30 = vector.multi_reduction <maximumf>, %div3A_28, %reduce_max3A_29 [0] : vector<16x512xf32> to vector<512xf32>
    %broadcast_in_dim3A_31 = vector.shape_cast %reduce_max3A_30 : vector<512xf32> to vector<1x512xf32>
    %eq3A_32 = vector.broadcast %broadcast_in_dim3A_31 : vector<1x512xf32> to vector<16x512xf32>
    %eq3A_33 = arith.cmpf oeq, %div3A_28, %eq3A_32 : vector<16x512xf32>
    %jit3A = arith.constant 16 : i32
    %broadcast_in_dim3A_34 = vector.broadcast %jit3A : i32 to vector<16x512xi32>
    %select_n3A = arith.select %eq3A_33, %iota3A, %broadcast_in_dim3A_34 : vector<16x512xi1>, vector<16x512xi32>
    %reduce_min3A = arith.constant dense<2147483647> : vector<512xi32>
    %reduce_min3A_35 = vector.multi_reduction <minsi>, %select_n3A, %reduce_min3A [0] : vector<16x512xi32> to vector<512xi32>
    %broadcast_in_dim3A_36 = vector.shape_cast %reduce_min3A_35 : vector<512xi32> to vector<1x512xi32>
    %eq3A_37 = vector.broadcast %broadcast_in_dim3A_36 : vector<1x512xi32> to vector<16x512xi32>
    %eq3A_38 = arith.cmpi eq, %iota3A, %eq3A_37 : vector<16x512xi32>
    %jit3A_39 = arith.constant -1.000000e+00 : f32
    %broadcast_in_dim3A_40 = vector.broadcast %jit3A_39 : f32 to vector<16x512xf32>
    %select_n3A_41 = arith.select %eq3A_38, %broadcast_in_dim3A_40, %div3A_28 : vector<16x512xi1>, vector<16x512xf32>
    %reduce_max3A_42 = arith.constant dense<0xFF800000> : vector<512xf32>
    %reduce_max3A_43 = vector.multi_reduction <maximumf>, %select_n3A_41, %reduce_max3A_42 [0] : vector<16x512xf32> to vector<512xf32>
    %broadcast_in_dim3A_44 = vector.shape_cast %reduce_max3A_43 : vector<512xf32> to vector<1x512xf32>
    %eq3A_45 = vector.broadcast %broadcast_in_dim3A_44 : vector<1x512xf32> to vector<16x512xf32>
    %eq3A_46 = arith.cmpf oeq, %select_n3A_41, %eq3A_45 : vector<16x512xf32>
    %jit3A_47 = arith.constant 16 : i32
    %broadcast_in_dim3A_48 = vector.broadcast %jit3A_47 : i32 to vector<16x512xi32>
    %select_n3A_49 = arith.select %eq3A_46, %iota3A, %broadcast_in_dim3A_48 : vector<16x512xi1>, vector<16x512xi32>
    %reduce_min3A_50 = arith.constant dense<2147483647> : vector<512xi32>
    %reduce_min3A_51 = vector.multi_reduction <minsi>, %select_n3A_49, %reduce_min3A_50 [0] : vector<16x512xi32> to vector<512xi32>
    %broadcast_in_dim3A_52 = vector.shape_cast %reduce_min3A_51 : vector<512xi32> to vector<1x512xi32>
    %eq3A_53 = vector.broadcast %broadcast_in_dim3A_52 : vector<1x512xi32> to vector<16x512xi32>
    %eq3A_54 = arith.cmpi eq, %iota3A, %eq3A_53 : vector<16x512xi32>
    %jit3A_55 = arith.constant 0.000000e+00 : f32
    %broadcast_in_dim3A_56 = vector.shape_cast %broadcast_in_dim3A_31 : vector<1x512xf32> to vector<1x512xf32>
    %broadcast_in_dim3A_57 = vector.broadcast %broadcast_in_dim3A_56 : vector<1x512xf32> to vector<16x512xf32>
    %broadcast_in_dim3A_58 = vector.broadcast %jit3A_55 : f32 to vector<16x512xf32>
    %select_n3A_59 = arith.select %eq3A_38, %broadcast_in_dim3A_57, %broadcast_in_dim3A_58 : vector<16x512xi1>, vector<16x512xf32>
    %jit3A_60 = arith.constant 0.000000e+00 : f32
    %broadcast_in_dim3A_61 = vector.shape_cast %broadcast_in_dim3A_44 : vector<1x512xf32> to vector<1x512xf32>
    %broadcast_in_dim3A_62 = vector.broadcast %broadcast_in_dim3A_61 : vector<1x512xf32> to vector<16x512xf32>
    %broadcast_in_dim3A_63 = vector.broadcast %jit3A_60 : f32 to vector<16x512xf32>
    %select_n3A_64 = arith.select %eq3A_54, %broadcast_in_dim3A_62, %broadcast_in_dim3A_63 : vector<16x512xi1>, vector<16x512xf32>
    %add3A_65 = arith.addf %select_n3A_59, %select_n3A_64 : vector<16x512xf32>
    %add3A_66 = arith.addf %broadcast_in_dim3A_31, %broadcast_in_dim3A_44 : vector<1x512xf32>
    %div3A_67 = vector.broadcast %add3A_66 : vector<1x512xf32> to vector<16x512xf32>
    %div3A_68 = arith.divf %add3A_65, %div3A_67 : vector<16x512xf32>
    %broadcast_in_dim3A_69 = arith.constant 1.000000e+00 : f32
    %broadcast_in_dim3A_70 = vector.broadcast %broadcast_in_dim3A_69 : f32 to vector<1x512xf32>
    %concatenate3A = tpu.concatenate %div3A_68, %broadcast_in_dim3A_70 in 0 : vector<16x512xf32>, vector<1x512xf32> -> vector<17x512xf32>
    %get3A_71 = arith.constant 0 : index
    %get3A_72 = arith.constant 0 : index
    %get3A_73 = vector.load %arg10[%get3A_71, %get3A_72] : memref<17x1088xf32, #tpu.memory_space<vmem>>, vector<17x1088xf32>
    %dot_general3A_74 = arith.constant dense<0.000000e+00> : vector<512x1088xf32>
    %dot_general3A_75 = tpu.matmul %concatenate3A, %get3A_73, %dot_general3A_74 {dimension_numbers = #tpu.dot_dimension_numbers<[0], [0], [1], [1], [0, 1, 1, 1], [], []>, transpose_lhs_hint = false} : vector<17x512xf32>, vector<17x1088xf32>, vector<512x1088xf32> -> vector<512x1088xf32>
    %tile3A = tpu.concatenate %slice3A, %slice3A, %slice3A, %slice3A, %slice3A, %slice3A, %slice3A, %slice3A, %slice3A, %slice3A, %slice3A, %slice3A, %slice3A, %slice3A, %slice3A, %slice3A, %slice3A in 1 : vector<512x64xf32>, vector<512x64xf32>, vector<512x64xf32>, vector<512x64xf32>, vector<512x64xf32>, vector<512x64xf32>, vector<512x64xf32>, vector<512x64xf32>, vector<512x64xf32>, vector<512x64xf32>, vector<512x64xf32>, vector<512x64xf32>, vector<512x64xf32>, vector<512x64xf32>, vector<512x64xf32>, vector<512x64xf32>, vector<512x64xf32> -> vector<512x1088xf32>
    %mul3A = arith.mulf %dot_general3A_75, %tile3A : vector<512x1088xf32>
    %get3A_76 = arith.constant 0 : index
    %get3A_77 = arith.constant 0 : index
    %get3A_78 = vector.load %arg14[%get3A_76, %get3A_77] : memref<1088x64xf32, #tpu.memory_space<vmem>>, vector<1088x64xf32>
    %dot_general3A_79 = arith.constant dense<0.000000e+00> : vector<512x64xf32>
    %dot_general3A_80 = tpu.matmul %mul3A, %get3A_78, %dot_general3A_79 {dimension_numbers = #tpu.dot_dimension_numbers<[1], [0], [0], [1], [0, 0, 1, 1], [], []>, transpose_lhs_hint = false} : vector<512x1088xf32>, vector<1088x64xf32>, vector<512x64xf32> -> vector<512x64xf32>
    %dot_general3A_81 = arith.constant dense<0.000000e+00> : vector<512x512xf32>
    %dot_general3A_82 = tpu.matmul %slice3A, %slice3A_12, %dot_general3A_81 {dimension_numbers = #tpu.dot_dimension_numbers<[1], [1], [0], [0], [0, 0, 1, 0], [], []>, transpose_lhs_hint = false} : vector<512x64xf32>, vector<512x64xf32>, vector<512x512xf32> -> vector<512x512xf32>
    %dot_general3A_83 = arith.constant dense<0.000000e+00> : vector<512x512xf32>
    %dot_general3A_84 = tpu.matmul %div3A_68, %div3A_68, %dot_general3A_83 {dimension_numbers = #tpu.dot_dimension_numbers<[0], [0], [1], [1], [0, 1, 1, 1], [], []>, transpose_lhs_hint = false} : vector<16x512xf32>, vector<16x512xf32>, vector<512x512xf32> -> vector<512x512xf32>
    %add3A_85 = arith.constant 1.000000e+00 : f32
    %add3A_86 = vector.broadcast %add3A_85 : f32 to vector<512x512xf32>
    %add3A_87 = arith.addf %dot_general3A_84, %add3A_86 : vector<512x512xf32>
    %iota3A_88 = tpu.iota {dimensions = array<i32: 0>} : vector<512x512xi32>
    %iota3A_89 = tpu.iota {dimensions = array<i32: 1>} : vector<512x512xi32>
    %ge3A = arith.cmpi sge, %iota3A_88, %iota3A_89 : vector<512x512xi32>
    %mul3A_90 = arith.mulf %dot_general3A_82, %add3A_87 : vector<512x512xf32>
    %jit3A_91 = arith.constant 0.000000e+00 : f32
    %broadcast_in_dim3A_92 = vector.broadcast %jit3A_91 : f32 to vector<512x512xf32>
    %select_n3A_93 = arith.select %ge3A, %mul3A_90, %broadcast_in_dim3A_92 : vector<512x512xi1>, vector<512x512xf32>
    %dot_general3A_94 = arith.constant dense<0.000000e+00> : vector<512x64xf32>
    %dot_general3A_95 = tpu.matmul %select_n3A_93, %slice3A_13, %dot_general3A_94 {dimension_numbers = #tpu.dot_dimension_numbers<[1], [0], [0], [1], [0, 0, 1, 1], [], []>, transpose_lhs_hint = false} : vector<512x512xf32>, vector<512x64xf32>, vector<512x64xf32> -> vector<512x64xf32>
    %add3A_96 = arith.addf %dot_general3A_80, %dot_general3A_95 : vector<512x64xf32>
    %get3A_97 = arith.constant 0 : index
    %get3A_98 = arith.constant 0 : index
    %get3A_99 = vector.load %arg11[%get3A_97, %get3A_98] : memref<64x1024xf32, #tpu.memory_space<vmem>>, vector<64x1024xf32>
    %dot_general3A_100 = arith.constant dense<0.000000e+00> : vector<512x1024xf32>
    %dot_general3A_101 = tpu.matmul %add3A_96, %get3A_99, %dot_general3A_100 {dimension_numbers = #tpu.dot_dimension_numbers<[1], [0], [0], [1], [0, 0, 1, 1], [], []>, transpose_lhs_hint = false} : vector<512x64xf32>, vector<64x1024xf32>, vector<512x1024xf32> -> vector<512x1024xf32>
    %get3A_102 = arith.constant 0 : index
    %get3A_103 = arith.constant 0 : index
    %get3A_104 = vector.load %arg12[%get3A_102, %get3A_103] : memref<1x1024xf32, #tpu.memory_space<vmem>>, vector<1x1024xf32>
    %add3A_105 = vector.broadcast %get3A_104 : vector<1x1024xf32> to vector<512x1024xf32>
    %add3A_106 = arith.addf %dot_general3A_101, %add3A_105 : vector<512x1024xf32>
    %reshape3A = vector.shape_cast %add3A_106 : vector<512x1024xf32> to vector<512x1x1024xf32>
    %swap3A = arith.constant 0 : index
    %swap3A_107 = arith.constant 0 : index
    %swap3A_108 = arith.constant 0 : index
    %swap3A_109 = vector.load %arg13[%swap3A, %swap3A_107, %swap3A_108] : memref<512x1x1024xf32, #tpu.memory_space<vmem>>, vector<512x1x1024xf32>
    tpu.vector_store %arg13[%swap3A, %swap3A_107, %swap3A_108], %reshape3A {strides = array<i32>} : memref<512x1x1024xf32, #tpu.memory_space<vmem>>, vector<512x1x1024xf32>,
    %tile3A_110 = tpu.concatenate %slice3A_12, %slice3A_12, %slice3A_12, %slice3A_12, %slice3A_12, %slice3A_12, %slice3A_12, %slice3A_12, %slice3A_12, %slice3A_12, %slice3A_12, %slice3A_12, %slice3A_12, %slice3A_12, %slice3A_12, %slice3A_12, %slice3A_12 in 1 : vector<512x64xf32>, vector<512x64xf32>, vector<512x64xf32>, vector<512x64xf32>, vector<512x64xf32>, vector<512x64xf32>, vector<512x64xf32>, vector<512x64xf32>, vector<512x64xf32>, vector<512x64xf32>, vector<512x64xf32>, vector<512x64xf32>, vector<512x64xf32>, vector<512x64xf32>, vector<512x64xf32>, vector<512x64xf32>, vector<512x64xf32> -> vector<512x1088xf32>
    %get3A_111 = arith.constant 0 : index
    %get3A_112 = arith.constant 0 : index
    %get3A_113 = vector.load %arg14[%get3A_111, %get3A_112] : memref<1088x64xf32, #tpu.memory_space<vmem>>, vector<1088x64xf32>
    %mul3A_114 = arith.mulf %dot_general3A_75, %tile3A_110 : vector<512x1088xf32>
    %dot_general3A_115 = arith.constant dense<0.000000e+00> : vector<1088x64xf32>
    %dot_general3A_116 = tpu.matmul %mul3A_114, %slice3A_13, %dot_general3A_115 {dimension_numbers = #tpu.dot_dimension_numbers<[0], [0], [1], [1], [0, 1, 1, 1], [], []>, transpose_lhs_hint = false} : vector<512x1088xf32>, vector<512x64xf32>, vector<1088x64xf32> -> vector<1088x64xf32>
    %add3A_117 = arith.addf %get3A_113, %dot_general3A_116 : vector<1088x64xf32>
    %swap3A_118 = arith.constant 0 : index
    %swap3A_119 = arith.constant 0 : index
    %swap3A_120 = vector.load %arg14[%swap3A_118, %swap3A_119] : memref<1088x64xf32, #tpu.memory_space<vmem>>, vector<1088x64xf32>
    tpu.vector_store %arg14[%swap3A_118, %swap3A_119], %add3A_117 {strides = array<i32>} : memref<1088x64xf32, #tpu.memory_space<vmem>>, vector<1088x64xf32>,
    return
  }
  func.func @transform_0(%arg0: i32) -> (i32, i32) {
    %c0_i32 = arith.constant 0 : i32
    %c0_i32_0 = arith.constant 0 : i32
    return %arg0, %c0_i32 : i32, i32
  }
  func.func @transform_1(%arg0: i32) -> (i32, i32) {
    %c0_i32 = arith.constant 0 : i32
    %c0_i32_0 = arith.constant 0 : i32
    %c0_i32_1 = arith.constant 0 : i32
    return %c0_i32, %c0_i32_0 : i32, i32
  }
  func.func @transform_2(%arg0: i32) -> (i32, i32) {
    %c0_i32 = arith.constant 0 : i32
    %c0_i32_0 = arith.constant 0 : i32
    %c0_i32_1 = arith.constant 0 : i32
    return %c0_i32, %c0_i32_0 : i32, i32
  }
  func.func @transform_3(%arg0: i32) -> (i32, i32) {
    %c0_i32 = arith.constant 0 : i32
    %c0_i32_0 = arith.constant 0 : i32
    %c0_i32_1 = arith.constant 0 : i32
    return %c0_i32, %c0_i32_0 : i32, i32
  }
  func.func @transform_4(%arg0: i32) -> (i32, i32) {
    %c0_i32 = arith.constant 0 : i32
    %c0_i32_0 = arith.constant 0 : i32
    %c0_i32_1 = arith.constant 0 : i32
    return %c0_i32, %c0_i32_0 : i32, i32
  }
  func.func @transform_5(%arg0: i32) -> (i32, i32) {
    %c0_i32 = arith.constant 0 : i32
    %c0_i32_0 = arith.constant 0 : i32
    %c0_i32_1 = arith.constant 0 : i32
    return %c0_i32, %c0_i32_0 : i32, i32
  }
  func.func @transform_6(%arg0: i32) -> (i32, i32) {
    %c0_i32 = arith.constant 0 : i32
    %c0_i32_0 = arith.constant 0 : i32
    %c0_i32_1 = arith.constant 0 : i32
    return %c0_i32, %c0_i32_0 : i32, i32
  }
  func.func @transform_7(%arg0: i32) -> (i32, i32) {
    %c0_i32 = arith.constant 0 : i32
    %c0_i32_0 = arith.constant 0 : i32
    %c0_i32_1 = arith.constant 0 : i32
    return %c0_i32, %c0_i32_0 : i32, i32
  }
  func.func @transform_8(%arg0: i32) -> (i32, i32) {
    %c0_i32 = arith.constant 0 : i32
    %c0_i32_0 = arith.constant 0 : i32
    %c0_i32_1 = arith.constant 0 : i32
    return %c0_i32, %c0_i32_0 : i32, i32
  }
  func.func @transform_9(%arg0: i32) -> (i32, i32) {
    %c0_i32 = arith.constant 0 : i32
    %c0_i32_0 = arith.constant 0 : i32
    %c0_i32_1 = arith.constant 0 : i32
    return %c0_i32, %c0_i32_0 : i32, i32
  }
  func.func @transform_10(%arg0: i32) -> (i32, i32) {
    %c0_i32 = arith.constant 0 : i32
    %c0_i32_0 = arith.constant 0 : i32
    %c0_i32_1 = arith.constant 0 : i32
    return %c0_i32, %c0_i32_0 : i32, i32
  }
  func.func @transform_11(%arg0: i32) -> (i32, i32) {
    %c0_i32 = arith.constant 0 : i32
    %c0_i32_0 = arith.constant 0 : i32
    %c0_i32_1 = arith.constant 0 : i32
    return %c0_i32, %c0_i32_0 : i32, i32
  }
  func.func @transform_12(%arg0: i32) -> (i32, i32, i32) {
    %c0_i32 = arith.constant 0 : i32
    %c0_i32_0 = arith.constant 0 : i32
    %c0_i32_1 = arith.constant 0 : i32
    return %arg0, %c0_i32, %c0_i32_0 : i32, i32, i32
  }
}

</mosaic_0001>

<sc_bundles>
// kernel: kernel.4.cloned.1.call-start
scs
__scs_entry_jumppad:
0x0: {  	(pc) =	sbr.rel $0x88, $3  }
0x1: {  	(tag) =	ssettag $0x0;
	lr =	simm.s32 $0x1  }
0x2: {  	[smem:$0x3F95] =	sst lr;
	_ =	strace $0xD0000000  }
0x3: {  	_ = 	snop  }
0x4: {  	_ = 	snop  }
0x5: {  	_ = 	snop  }
0x6: {  	_ = 	snop  }
0x7: {  	_ = 	snop  }
__scs_overlays_trampoline_lowered:
0x8: {  	[smem:$0x3FA4] =	sst s0  }
0x9: {  	[smem:$0x3FA5] =	sst s1  }
0xa: {  	[smem:$0x3FA6] =	sst s2  }
0xb: {  	[smem:$0x3FA7] =	sst s3  }
0xc: {  	[smem:$0x3FA8] =	sst s4  }
0xd: {  	[smem:$0x3FA9] =	sst s5  }
0xe: {  	[smem:$0x3FAA] =	sst s6  }
0xf: {  	[smem:$0x3FAB] =	sst s7  }
0x10: {  	[smem:$0x3FAC] =	sst s8  }
0x11: {  	[smem:$0x3FAD] =	sst s9;
	s0 =	simm.s32 @!p0 $0x0  }
0x12: {  	s1 =	sld [smem:$0x3F93];
	s0 =	simm.s32 @p0 $0x1  }
0x13: {  	[smem:$0x3FAE] =	sst s0;
	s0 =	simm.s32 @!p1 $0x0  }
0x14: {  	s2 =	sld [smem:$0x3F92];
	s0 =	simm.s32 @p1 $0x1  }
0x15: {  	[smem:$0x3FAF] =	sst s0;
	s0 =	simm.s32 @!p2 $0x0  }
0x16: {  	s3 =	sld [smem:$0x3FDB];
	s0 =	simm.s32 @p2 $0x1  }
0x17: {  	s4 =	simm.s32 $0x1BF5;
	[smem:$0x3FB1] =	sst s0  }
0x18: {  	s0 =	sld [smem:$0x3F94];
	_ =	swait.ge [sflag:s4], $0x0  }
0x19: {  	s7 =	sld [smem:$0x3F95]  }
0x1a: {  	s8 =	sadd.s32 $0xFFFFE003, lr  }
0x1b: {  	s9 =	sadd.s32 $0xFFFFFEF7, lr;
	s5 =	simm.s32 $0xFFFFFFFF;
	p2 =	slt.u32 s8, $0xFFFFF086  }
0x1c: {  	p1 =	slt.u32 s9, $0xF7A;
	s5 =	simm.s32 @!p2 $0x0  }
0x1d: {  	s5 =	simm.s32 @p1 $0x1;
	p0 =	seq.s32 s7, s2  }
0x1e: {  	s7 =	smul.u32 @!p0 $0xF7A, s2;
	p2 =	seq.s32 @!p0 s5, $0x0  }
0x1f: {  	s9 =	smul.u32 $0xF7A, s1;
	s8 =	simm.s32 @!p0 $0x1BF5;
	p2 =	por !p2, p0  }
0x20: {  	[sflag:s8] =	ssyncset.s32 @!p0 $0xFFFFF086;
	s6 =	sadd.s32 @!p0 s3, s7;
	s7 =	simm.s32 @!p0 $0x108  }
0x21: {  	s3 =	sadd.s32 s3, s9;
	s6 =	sadd.s32 @!p0 $0x88, s6;
	s7 =	simm.s32 @p2 $0x1082  }
0x22: {  	[simem:s7], [sflag:s8] =	dma.local @!p0 [hbm:s6], $0xF7A  }
0x23: {  	s9 =	sor.u32 $0xD0000000, s2;
	s6 =	simm.s32 $0x108;
	_ =	swait.ge @!p0 [sflag:s8], $0x0  }
0x24: {  	s3 =	sadd.s32 $0x88, s3;
	s6 =	simm.s32 @!p1 $0x1082;
	[sflag:s4] =	ssyncset.s32 $0xFFFFF086  }
0x25: {  	[simem:s6], [sflag:s4] =	dma.local [hbm:s3], $0xF7A  }
0x26: {  	[smem:$0x3F95] =	sst s1;
	(tag) =	ssettag s2;
	_ =	strace s9  }
0x27: {  	s1 =	sld [smem:$0x3FA5]  }
0x28: {  	s2 =	sld [smem:$0x3FA6]  }
0x29: {  	s4 =	sld [smem:$0x3FA8]  }
0x2a: {  	p0 =	seq.s32 s5, $0x0;
	s5 =	sld [smem:$0x3FA9]  }
0x2b: {  	s6 =	sld [smem:$0x3FAA]  }
0x2c: {  	s7 =	sld [smem:$0x3FAB]  }
0x2d: {  	s3 =	simm.s32 $0x108;
	s8 =	sld [smem:$0x3FAC]  }
0x2e: {  	s3 =	simm.s32 @!p0 $0x1082;
	s9 =	sld [smem:$0x3FAD]  }
0x2f: {  	lr =	sadd.s32 s0, s3;
	s0 =	sld [smem:$0x3FA4]  }
0x30: {  	s3 =	sld [smem:$0x3FA7]  }
0x31: {  	[smem:$0x3FB0] =	sst s10  }
0x32: {  	s10 =	sld [smem:$0x3FAE];
	_ =	sdelay $0x3  }
0x33: {  	p0 =	seq.s32 s10, $0x1;
	s10 =	sld [smem:$0x3FB0];
	_ =	sdelay $0x3  }
0x34: {  	[smem:$0x3FB0] =	sst s10  }
0x35: {  	s10 =	sld [smem:$0x3FAF];
	_ =	sdelay $0x3  }
0x36: {  	p1 =	seq.s32 s10, $0x1;
	s10 =	sld [smem:$0x3FB0];
	_ =	sdelay $0x3  }
0x37: {  	[smem:$0x3FB0] =	sst s10  }
0x38: {  	s10 =	sld [smem:$0x3FB1]  }
0x39: {  	_ = 	snop;
	(pc) =	sbr.ind lr, $3  }
0x3a: {  	_ = 	snop  }
0x3b: {  	_ = 	snop  }
0x3c: {  	p2 =	seq.s32 s10, $0x1;
	s10 =	sld [smem:$0x3FB0]  }
0x3d: {  	_ =	shalt  }
0x3e: {  	_ =	shalt  }
0x3f: {  	_ =	shalt  }
0x40: {  	_ =	shalt  }
0x41: {  	_ =	shalt  }
0x42: {  	_ =	shalt  }
0x43: {  	_ =	shalt  }
0x44: {  	_ =	shalt  }
0x45: {  	_ =	shalt  }
0x46: {  	_ =	shalt  }
0x47: {  	_ =	shalt  }
0x48: {  	_ =	shalt  }
0x49: {  	_ =	shalt  }
0x4a: {  	_ =	shalt  }
0x4b: {  	_ =	shalt  }
0x4c: {  	_ =	shalt  }
0x4d: {  	_ =	shalt  }
0x4e: {  	_ =	shalt  }
0x4f: {  	_ =	shalt  }
0x50: {  	_ =	shalt  }
0x51: {  	_ =	shalt  }
0x52: {  	_ =	shalt  }
0x53: {  	_ =	shalt  }
0x54: {  	_ =	shalt  }
0x55: {  	_ =	shalt  }
0x56: {  	_ =	shalt  }
0x57: {  	_ =	shalt  }
0x58: {  	_ =	shalt  }
0x59: {  	_ =	shalt  }
0x5a: {  	_ =	shalt  }
0x5b: {  	_ =	shalt  }
0x5c: {  	_ =	shalt  }
0x5d: {  	_ =	shalt  }
0x5e: {  	_ =	shalt  }
0x5f: {  	_ =	shalt  }
0x60: {  	_ =	shalt  }
0x61: {  	_ =	shalt  }
0x62: {  	_ =	shalt  }
0x63: {  	_ =	shalt  }
0x64: {  	_ =	shalt  }
0x65: {  	_ =	shalt  }
0x66: {  	_ =	shalt  }
0x67: {  	_ =	shalt  }
0x68: {  	_ =	shalt  }
0x69: {  	_ =	shalt  }
0x6a: {  	_ =	shalt  }
0x6b: {  	_ =	shalt  }
0x6c: {  	_ =	shalt  }
0x6d: {  	_ =	shalt  }
0x6e: {  	_ =	shalt  }
0x6f: {  	_ =	shalt  }
0x70: {  	_ =	shalt  }
0x71: {  	_ =	shalt  }
0x72: {  	_ =	shalt  }
0x73: {  	_ =	shalt  }
0x74: {  	_ =	shalt  }
0x75: {  	_ =	shalt  }
0x76: {  	_ =	shalt  }
0x77: {  	_ =	shalt  }
0x78: {  	_ =	shalt  }
0x79: {  	_ =	shalt  }
0x7a: {  	_ =	shalt  }
0x7b: {  	_ =	shalt  }
0x7c: {  	_ =	shalt  }
0x7d: {  	_ =	shalt  }
0x7e: {  	_ =	shalt  }
0x7f: {  	_ =	shalt  }
0x80: {  	_ =	shalt  }
0x81: {  	_ =	shalt  }
0x82: {  	_ =	shalt  }
0x83: {  	_ =	shalt  }
0x84: {  	_ =	shalt  }
0x85: {  	_ =	shalt  }
0x86: {  	_ =	shalt  }
0x87: {  	_ =	shalt  }
.Lfunc_end0:
.L_simem_size_0:
called_computation_lowered:
.L_overlay_start_0:
0x88: {  	s2 =	sld [smem:$0x3FD9]  }
0x89: {  	s3 =	sld [smem:$0x3FFE];
	_ =	sdelay $0x1  }
0x8a: {  	s1 =	srdreg.scid  }
0x8b: {  	s0 =	sand.u32 $0x1, s1  }
0x8c: {  	s18 =	sshll.u32 s0, $0xA;
	s2 =	sadd.s32 s3, s2  }
0x8d: {  	s2 =	sadd.s32 s2, s18  }
0x8e: {  	[smem:$0x3FBC] =	sst s2  }
0x8f: {  	_ = 	snop  }
0x90: {  	s2 =	sld [smem:$0x3FC9]  }
0x91: {  	s19 =	sld [smem:$0x3FC8]  }
0x92: {  	s4 =	sld [smem:$0x3FD0];
	(tm) =	ssettm $0x1  }
0x93: {  	s5 =	sld [smem:$0x3FFB];
	_ =	sdelay $0x3  }
0x94: {  	_ =	strace s5  }
0x95: {  	s5 =	sld [smem:$0x3FFC];
	_ =	sdelay $0x3  }
0x96: {  	_ =	strace s5  }
0x97: {  	s5 =	sld [smem:$0x3FFD];
	_ =	sdelay $0x3  }
0x98: {  	_ =	strace s5  }
0x99: {  	_ =	strace $0x8FFFFFFF  }
0x9a: {  	s20 =	sld [smem:$0x3FDB];
	_ =	sdelay $0x1  }
0x9b: {  	s6 =	simm.s32 $_scs_section_size  }
0x9c: {  	s7 =	simm.s32 $_size__tile_overlayer_lowered;
	s8 =	simm.s32 $_tile_overlayer_lowered  }
0x9d: {  	s23 =	simm.s32 $0x1BFF;
	s22 =	sshll.u32 s8, $0x1;
	s5 =	sadd.s32 s6, s20  }
0x9e: {  	s9 =	simm.s32 $0x0;
	s21 =	sshll.u32 s7, $0x1;
	s7 =	sadd.s32 s22, s5  }
0x9f: {  	[timem:s9], [sflag:s23] =	dma.local [hbm:s7], s21  }
0xa0: {  	_ =	swait.ge [sflag:s23], s21  }
0xa1: {  	s6 =	ssub.s32 $0x0, s21;
	[sflag:s23] =	ssyncset.done $0x0  }
0xa2: {  	[sflag:s23] =	ssyncadd.s32 s6;
	_ =	sdelay $0x1  }
0xa3: {  	s24 =	simm.s32 $0x1B8B  }
0xa4: {  	_ =	swait.ge [sflag:s24], $0x1  }
0xa5: {  	[sflag:s24] =	ssyncset.done $0x0  }
0xa6: {  	s25 =	simm.s32 $0x1B8E;
	[sflag:s24] =	ssyncadd.s32 $0xFFFFFFFF  }
0xa7: {  	s26 =	simm.s32 $execute0_lowered;
	[smem:$0x3FD2] =	sst s25  }
0xa8: {  	s6 =	sshll.u32 s26, $0x1;
	_ =	strace $0x80000046;
	[dreg:$0x1] =	wrdreg $0xFFFFFFFF  }
0xa9: {  	s28 =	simm.s32 $_size_execute0_lowered;
	s5 =	sadd.s32 s5, s6;
	[dreg:$0x0] =	wrdreg $0x0  }
0xaa: {  	s6 =	sshll.u32 s28, $0x1;
	[dreg:$0x2] =	wrdreg s5  }
0xab: {  	[dreg:$0x3] =	wrdreg s6  }
0xac: {  	[dreg:$0x4] =	wrdreg $0xC0  }
0xad: {  	_ =	task [dreg:s9], $0x5FFFF  }
0xae: {  	[dreg:$0x1] =	wrdreg $0xFFFFFFFF  }
0xaf: {  	[dreg:$0x0] =	wrdreg $0x60  }
0xb0: {  	[dreg:$0x2] =	wrdreg s19  }
0xb1: {  	[dreg:$0x3] =	wrdreg s2  }
0xb2: {  	[dreg:$0x4] =	wrdreg s4  }
0xb3: {  	[dreg:$0x5] =	wrdreg $0x9  }
0xb4: {  	_ =	task.clear_ibuf [dreg:s9], $0x6FFFF;
	_ =	strace $0x90000046  }
0xb5: {  	s29 =	simm.s32 $0x9;
	_ =	strace $0x80000048  }
0xb6: {  	_ =	swait.ge [sflag:s29], $0x1  }
0xb7: {  	[sflag:s29] =	ssyncadd.s32 $0xFFFFFFFF  }
0xb8: {  	_ =	strace $0x90000048  }
0xb9: {  	_ =	sfence  }
0xba: {  	s30 =	sld [smem:$0x0];
	_ =	sdelay $0x2  }
0xbb: {  	s31 =	sshll.u32 s1, $0xD;
	s1 =	sshrl.u32 s1, $0x2  }
0xbc: {  	s3 =	sand.u32 $0x4000, s31;
	s1 =	sadd.s32 s1, s30  }
0xbd: {  	s0 =	sor.u32 s3, s0;
	s1 =	sshll.u32 s1, $0x11  }
0xbe: {  	s0 =	sor.u32 s1, s0  }
0xbf: {  	s0 =	sadd.s32 $0x8F2B, s0  }
0xc0: {  	[sflag:s0] =	ssyncadd.remote.s32 $0x1  }
0xc1: {  	_ =	sfence.sel $0xFFFF  }
0xc2: {  	[dreg:$0x0] =	wrdreg $0xFFFFFFFF;
	(pc) =	sbr.abs _section_cstart, $3  }
0xc3: {  	[dreg:$0x1] =	wrdreg $0xFFFFFFFF  }
0xc4: {  	_ =	task.clear_ibuf [dreg:s9], $0x2FFFF;
	_ =	strace $0x9FFFFFFF  }
0xc5: {  	(tm) =	ssettm $0x7FFFFFFF  }
tec
execute0_lowered:
.L_overlay_start_1:
0x0: {  	(tag) =	ssettag $0x1  }
0x1: {  	s1 =	rddreg [dreg:$0x0];
	s2 =	srdreg.scid  }
0x2: {  	s4 =	rddreg [dreg:$0x1];
	s0 =	stileid.u32;
	s12 =	sand.u32 $0x1, s2  }
0x3: {  	s10 =	rddreg [dreg:$0x2];
	s5 =	sshll.u32 s0, $0x7;
	s6 =	sshll.u32 s12, $0x6  }
0x4: {  	s3 =	simm.s32 $0x0;
	s2 =	rddreg [dreg:$0x3];
	s11 =	sor.u32 s6, s5  }
0x5: {  	[smem:$0x7FF] =	sst s3;
	s5 =	sshrl.u32 s11, $0x3  }
0x6: {  	_ =	strace $0x80000047;
	s4 =	sadd.s32 s4, s5;
	s5 =	simm.s32 $0x5  }
0x7: {  	[tilespmem:s3], [sflag:$0x5] =	stream.linear.gather [hbm4b:s4+s3], $0x40, $0x38;
	[tilespmem:$0x2080] =	vst v63  }
0x8: {  	_ =	swait.ge [sflag:s5], $0x40  }
0x9: {  	[sflag:s5] =	ssyncset.done $0x0  }
0xa: {  	s7 =	simm.s32 $0x80;
	s6 =	simm.s32 $0x20;
	[sflag:s5] =	ssyncadd.s32 $0xFFFFFFC0  }
0xb: {  	[tilespmem:s7], [sflag:$0x1] =	stream.indirect.gather [hbm4b:s1+s6], $0x80, s3, s6, $0xb8;
	[tilespmem:$0x2080] =	vst v63  }
0xc: {  	s8 =	simm.s32 $0x1080;
	s9 =	simm.s32 $0x1  }
0xd: {  	[tilespmem:s8], [sflag:$0x2] =	stream.indirect.gather [hbm4b:s1+s6], $0x80, s6, s6, $0xb8;
	[tilespmem:$0x2080] =	vst v63  }
0xe: {  	s14 =	ssub.s32 $0x2, s12;
	_ =	swait.ge [sflag:s9], $0x1000  }
0xf: {  	s15 =	sshrl.u32 s14, $0x1;
	s11 =	sshll.u32 s11, $0x4;
	[sflag:s9] =	ssyncset.done $0x0  }
0x10: {  	s10 =	sadd.s32 s10, s11;
	s11 =	simm.s32 $0x2;
	[sflag:s9] =	ssyncadd.s32 $0xFFFFF000  }
0x11: {  	[hbm4b:s10+s3] =	stream.linear.scatter [tilespmem:s7], [sflag:$0x3], $0x1000, $0x38;
	[tilespmem:$0x2080] =	vst v63  }
0x12: {  	s14 =	ssub.s32 s14, s15;
	_ =	swait.ge [sflag:s11], $0x1000  }
0x13: {  	s13 =	simm.s32 $0x3;
	s15 =	smax.u32 s14, $0x1;
	[sflag:s11] =	ssyncset.done $0x0  }
0x14: {  	s12 =	sadd.s32 $0x200, s10;
	p0 =	sne.s32 s15, $0x1;
	[sflag:s11] =	ssyncadd.s32 $0xFFFFF000  }
0x15: {  	[hbm4b:s12+s3] =	stream.linear.scatter [tilespmem:s8], [sflag:$0x4], $0x1000, $0x38;
	[tilespmem:$0x2080] =	vst v63  }
.Ltmp0:
0x16: {  	_ =	swait.ge [sflag:s13], $0x1000;
	(pc) =	sbr.rel @!p0 .LBB2_2-.Ltmp0, $4  }
0x17: {  	[sflag:s13] =	ssyncset.done $0x0  }
0x18: {  	s14 =	simm.s32 $0x4;
	[sflag:s13] =	ssyncadd.s32 $0xFFFFF000  }
0x19: {  	_ =	swait.ge [sflag:s14], $0x1000  }
0x1a: {  	s15 =	sadd.s32 $0xFFFFFFFF, s15;
	[sflag:s14] =	ssyncset.done $0x0  }
.LBB2_1:
0x1b: {  	p0 =	sne.s32 s15, $0x1;
	s15 =	sadd.s32 $0xFFFFFFFF, s15;
	[sflag:s14] =	ssyncadd.s32 $0xFFFFF000  }
0x1c: {  	[tilespmem:s3], [sflag:$0x5] =	stream.linear.gather [hbm4b:s4+s3], $0x40, $0x38;
	[tilespmem:$0x2080] =	vst v63  }
0x1d: {  	_ =	swait.ge [sflag:s5], $0x40  }
0x1e: {  	[sflag:s5] =	ssyncset.done $0x0  }
0x1f: {  	[sflag:s5] =	ssyncadd.s32 $0xFFFFFFC0  }
0x20: {  	[tilespmem:s7], [sflag:$0x1] =	stream.indirect.gather [hbm4b:s1+s6], $0x80, s3, s6, $0xb8;
	[tilespmem:$0x2080] =	vst v63  }
0x21: {  	_ = 	snop  }
0x22: {  	[tilespmem:s8], [sflag:$0x2] =	stream.indirect.gather [hbm4b:s1+s6], $0x80, s6, s6, $0xb8;
	[tilespmem:$0x2080] =	vst v63  }
0x23: {  	_ =	swait.ge [sflag:s9], $0x1000  }
0x24: {  	[sflag:s9] =	ssyncset.done $0x0  }
0x25: {  	[sflag:s9] =	ssyncadd.s32 $0xFFFFF000  }
0x26: {  	[hbm4b:s10+s3] =	stream.linear.scatter [tilespmem:s7], [sflag:$0x3], $0x1000, $0x38;
	[tilespmem:$0x2080] =	vst v63  }
0x27: {  	_ =	swait.ge [sflag:s11], $0x1000  }
0x28: {  	[sflag:s11] =	ssyncset.done $0x0  }
0x29: {  	[sflag:s11] =	ssyncadd.s32 $0xFFFFF000  }
0x2a: {  	[hbm4b:s12+s3] =	stream.linear.scatter [tilespmem:s8], [sflag:$0x4], $0x1000, $0x38;
	[tilespmem:$0x2080] =	vst v63  }
.Ltmp1:
0x2b: {  	_ =	swait.ge [sflag:s13], $0x1000;
	(pc) =	sbr.rel @p0 .LBB2_1-.Ltmp1, $4  }
0x2c: {  	[sflag:s13] =	ssyncset.done $0x0  }
0x2d: {  	[sflag:s13] =	ssyncadd.s32 $0xFFFFF000  }
0x2e: {  	_ =	swait.ge [sflag:s14], $0x1000  }
0x2f: {  	[sflag:s14] =	ssyncset.done $0x0  }
.LBB2_2:
0x30: {  	[sflag:s14] =	ssyncadd.s32 $0xFFFFF000  }
0x31: {  	_ =	sfence.sel $0x180000  }
0x32: {  	[bflag:$0x0] =	sbarrier.arrive $0xFFFF  }
0x33: {  	p0 =	sne.s32 s0, $0x0;
	_ =	strace $0x90000047  }
0x34: {  	s0 =	sadd.s32 @!p0 $0x100000, s2;
	[bflag:$0x2] =	sbarrier.arrive $0xFFFF  }
0x35: {  	[sflag:s0] =	ssyncadd.tile.s32 @!p0 $0x1;
	_ =	shalt  }
.Lfunc_end2:
_tile_overlayer_lowered:
.L_overlay_start_2:
0x36: {  	(tag) =	ssettag $0x2  }
0x37: {  	s0 =	rddreg [dreg:$0x0];
	s2 =	stileid.u32  }
0x38: {  	s1 =	rddreg [dreg:$0x1];
	p0 =	sne.s32 s2, $0x0  }
0x39: {  	s3 =	rddreg [dreg:$0x2];
	[bflag:$0x3] =	sbarrier.arrive $0xFFFF;
	s2 =	simm.s32 @!p0 $0x1C05  }
0x3a: {  	[timem:s3], [sflag:s2] =	dma.local @!p0 [hbm:s0], s1  }
0x3b: {  	s0 =	simm.s32 @!p0 $0x5  }
0x3c: {  	_ =	swait.ge @!p0 [sflag:s0], s1  }
0x3d: {  	s1 =	ssub.s32 @!p0 $0x0, s1;
	[sflag:s0] =	ssyncset.done @!p0 $0x0  }
0x3e: {  	[sflag:s0] =	ssyncadd.s32 @!p0 s1  }
0x3f: {  	[bflag:$0x3] =	sbarrier.arrive $0xFFFF  }
0x40: {  	_ =	shalt  }

</sc_bundles>
